<compile_context>
chip_gen: v7x
topology: tpu7x:2x2x1
jax: 0.10.2.dev20260603
libtpu: 0.0.44.dev20260713+nightly
codegen_flags: <defaults>
</compile_context>

<pallas_src>
import functools

import jax
import jax.numpy as jnp
from jax import lax
from jax.experimental import pallas as pl
from jax.experimental.pallas import tpu as pltpu
from jax.experimental.pallas import tpu_sc as plsc

D = 128
CHUNK = 128
NBUF = 5
LAG = 3


@functools.lru_cache(maxsize=None)
def _make_gather(B: int):
    info = plsc.get_sparse_core_info()
    nw = info.num_cores * info.num_subcores
    b_per_w = B // nw
    n_chunks = b_per_w // CHUNK
    n_groups = n_chunks // NBUF
    assert n_chunks % NBUF == 0
    mesh = plsc.VectorSubcoreMesh(core_axis_name="c", subcore_axis_name="s")

    @functools.partial(
        pl.kernel,
        mesh=mesh,
        out_type=jax.ShapeDtypeStruct((B, D), jnp.float32),
        scratch_types=(
            [pltpu.VMEM((n_chunks, CHUNK), jnp.int32)]
            + [pltpu.VMEM((CHUNK, D), jnp.float32) for _ in range(NBUF)]
            + [pltpu.SemaphoreType.DMA for _ in range(2 * NBUF)]
        ),
    )
    def k(idx_hbm, table_hbm, out_hbm, idx_v, *bufs_sems):
        rows = bufs_sems[:NBUF]
        gsem = bufs_sems[NBUF:2 * NBUF]
        ssem = bufs_sems[2 * NBUF:3 * NBUF]
        wid = lax.axis_index("s") * info.num_cores + lax.axis_index("c")
        pltpu.sync_copy(idx_hbm.at[wid], idx_v)
        base = wid * b_per_w

        def start_gather(c, b):
            pltpu.async_copy(table_hbm.at[idx_v.at[c]], rows[b], gsem[b])

        def wait_gather(c, b):
            pltpu.make_async_copy(
                table_hbm.at[idx_v.at[c]], rows[b], gsem[b]).wait()

        def start_scatter(c, b):
            pltpu.async_copy(
                rows[b], out_hbm.at[pl.ds(base + c * CHUNK, CHUNK)], ssem[b])

        def wait_scatter(c, b):
            pltpu.make_async_copy(
                rows[b], out_hbm.at[pl.ds(base + c * CHUNK, CHUNK)],
                ssem[b]).wait()

        for b in range(NBUF):
            start_gather(b, b)

        def group(g, carry):
            for b in range(NBUF):
                i = g * NBUF + b
                wait_gather(i, b)
                start_scatter(i, b)
                j = i - LAG
                bj = (b - LAG) % NBUF

                @pl.when(jnp.logical_and(j >= 0, j + NBUF < n_chunks))
                def _():
                    wait_scatter(j, bj)
                    start_gather(j + NBUF, bj)
            return carry

        lax.fori_loop(0, n_groups, group, 0)

        for c in range(n_chunks - NBUF, n_chunks):
            wait_scatter(c, c % NBUF)

    return k


def kernel(x, table):
    s0, s1 = x.shape
    B = s0 * s1
    info = plsc.get_sparse_core_info()
    nw = info.num_cores * info.num_subcores
    idx = x.reshape(nw, B // nw // CHUNK, CHUNK).astype(jnp.int32)
    out = _make_gather(B)(idx, table)
    return out.reshape(s0, s1, D)

# --- scband reference (transcript-rebuilt; emitter-appended) ---
"""Pipeline reference for scband-embed-64991445123839 (READ-ONLY COPY).

The authoritative reference and input builder live on the scoring server;
editing this copy changes nothing except your own understanding.
"""

import jax, jax.numpy as jnp
import numpy as np

VOCAB_SIZE = 100000
MODEL_DIM = 128

def setup_inputs(seed: int = 0) -> dict:
    key = jax.random.key(seed)
    k1, k2 = jax.random.split(key)
    x = jax.random.randint(k1, (1024, 200), 0, VOCAB_SIZE, dtype=jnp.int64 if jax.config.jax_enable_x64 else jnp.int32)
    # nn.Embedding default init: N(0, 1)
    table = jax.random.normal(k2, (VOCAB_SIZE, MODEL_DIM), dtype=jnp.float32)
    return {"x": x, "table": table}

def reference(x, table):
    # nn.Embedding forward: gather rows of the table by index
    return jnp.take(table, x, axis=0)

if __name__ == "__main__":
    import jax
    _d = setup_inputs()
    print(jax.jit(kernel)(*tuple(_d.values())))

</pallas_src>

<mosaic_0001>
#map = affine_map<(d0, d1) -> (0, 0, 0)>
#map1 = affine_map<(d0, d1) -> (0, 0)>
module attributes {stable_mosaic.version = 14 : i64} {
  func.func @k(%arg0: i32, %arg1: i32, %arg2: memref<32x50x128xi32, #tpu.memory_space<hbm>>, %arg3: memref<100000x128xf32, #tpu.memory_space<hbm>>, %arg4: memref<204800x128xf32, #tpu.memory_space<hbm>>, %arg5: memref<50x128xi32, #tpu.memory_space<vmem>>, %arg6: memref<128x128xf32, #tpu.memory_space<vmem>>, %arg7: memref<128x128xf32, #tpu.memory_space<vmem>>, %arg8: memref<128x128xf32, #tpu.memory_space<vmem>>, %arg9: memref<128x128xf32, #tpu.memory_space<vmem>>, %arg10: memref<128x128xf32, #tpu.memory_space<vmem>>, %arg11: memref<!tpu.dma_semaphore, #tpu.memory_space<semaphore_mem>>, %arg12: memref<!tpu.dma_semaphore, #tpu.memory_space<semaphore_mem>>, %arg13: memref<!tpu.dma_semaphore, #tpu.memory_space<semaphore_mem>>, %arg14: memref<!tpu.dma_semaphore, #tpu.memory_space<semaphore_mem>>, %arg15: memref<!tpu.dma_semaphore, #tpu.memory_space<semaphore_mem>>, %arg16: memref<!tpu.dma_semaphore, #tpu.memory_space<semaphore_mem>>, %arg17: memref<!tpu.dma_semaphore, #tpu.memory_space<semaphore_mem>>, %arg18: memref<!tpu.dma_semaphore, #tpu.memory_space<semaphore_mem>>, %arg19: memref<!tpu.dma_semaphore, #tpu.memory_space<semaphore_mem>>, %arg20: memref<!tpu.dma_semaphore, #tpu.memory_space<semaphore_mem>>) attributes {dimension_semantics = [#tpu.dimension_semantics<core_parallel>, #tpu.dimension_semantics<subcore_parallel>], iteration_bounds = array<i64: 2, 16>, scalar_prefetch = 0 : i64, scratch_operands = 16 : i64, tpu.core_type = #tpu.core_type<sc_vector_subcore>, window_params = [{transform_indices = #map}, {transform_indices = #map1}, {transform_indices = #map1}]} {
    %mul3A = arith.constant 2 : i32
    %mul3A_0 = arith.muli %arg1, %mul3A : i32
    %add3A = arith.addi %mul3A_0, %arg0 : i32
    "tpu.region"() ({
      %run_scoped3A = tpu.sem_alloc : memref<!tpu.dma_semaphore, #tpu.memory_space<semaphore_mem>>
      %dma_start3A_71 = arith.constant 0 : i32
      %dma_start3A_72 = arith.constant 0 : i32
      %dma_start3A_73 = tpu.memref_slice %arg2[%add3A, %dma_start3A_71, %dma_start3A_72] : memref<32x50x128xi32, #tpu.memory_space<hbm>> -> memref<1x50x128xi32, #tpu.memory_space<hbm>>
      %dma_start3A_74 = tpu.memref_squeeze %dma_start3A_73 : memref<1x50x128xi32, #tpu.memory_space<hbm>> -> memref<50x128xi32, #tpu.memory_space<hbm>>
      %dma_start3A_75 = arith.constant 0 : i32
      %dma_start3A_76 = arith.constant 0 : i32
      %dma_start3A_77 = tpu.memref_slice %arg2[%add3A, %dma_start3A_75, %dma_start3A_76] : memref<32x50x128xi32, #tpu.memory_space<hbm>> -> memref<1x50x128xi32, #tpu.memory_space<hbm>>
      %dma_start3A_78 = tpu.memref_squeeze %dma_start3A_77 : memref<1x50x128xi32, #tpu.memory_space<hbm>> -> memref<50x128xi32, #tpu.memory_space<hbm>>
      tpu.enqueue_dma source(%dma_start3A_78 : memref<50x128xi32, #tpu.memory_space<hbm>>) target(%arg5 : memref<50x128xi32, #tpu.memory_space<vmem>>) target_semaphore(%run_scoped3A : memref<!tpu.dma_semaphore, #tpu.memory_space<semaphore_mem>>)
      %dma_wait3A_79 = arith.constant 0 : i32
      %dma_wait3A_80 = arith.constant 0 : i32
      %dma_wait3A_81 = tpu.memref_slice %arg2[%add3A, %dma_wait3A_79, %dma_wait3A_80] : memref<32x50x128xi32, #tpu.memory_space<hbm>> -> memref<1x50x128xi32, #tpu.memory_space<hbm>>
      %dma_wait3A_82 = tpu.memref_squeeze %dma_wait3A_81 : memref<1x50x128xi32, #tpu.memory_space<hbm>> -> memref<50x128xi32, #tpu.memory_space<hbm>>
      %dma_wait3A_83 = arith.constant 0 : i32
      %dma_wait3A_84 = arith.constant 0 : i32
      %dma_wait3A_85 = tpu.memref_slice %arg2[%add3A, %dma_wait3A_83, %dma_wait3A_84] : memref<32x50x128xi32, #tpu.memory_space<hbm>> -> memref<1x50x128xi32, #tpu.memory_space<hbm>>
      %dma_wait3A_86 = tpu.memref_squeeze %dma_wait3A_85 : memref<1x50x128xi32, #tpu.memory_space<hbm>> -> memref<50x128xi32, #tpu.memory_space<hbm>>
      tpu.wait_dma2 semaphore(%run_scoped3A : memref<!tpu.dma_semaphore, #tpu.memory_space<semaphore_mem>>) src(%dma_wait3A_86 : memref<50x128xi32, #tpu.memory_space<hbm>>) dst(%arg5 : memref<50x128xi32, #tpu.memory_space<vmem>>)
      tpu.yield
    }) : () -> ()
    %mul3A_1 = arith.constant 6400 : i32
    %mul3A_2 = arith.muli %add3A, %mul3A_1 : i32
    %dma_start3A = arith.constant 0 : i32
    %dma_start3A_3 = arith.constant 0 : i32
    %dma_start3A_4 = tpu.memref_slice %arg5[%dma_start3A, %dma_start3A_3] : memref<50x128xi32, #tpu.memory_space<vmem>> -> memref<1x128xi32, #tpu.memory_space<vmem>>
    %dma_start3A_5 = tpu.memref_squeeze %dma_start3A_4 : memref<1x128xi32, #tpu.memory_space<vmem>> -> memref<128xi32, #tpu.memory_space<vmem>>
    %dma_start3A_6 = arith.constant 0 : i32
    %dma_start3A_7 = arith.constant 0 : i32
    %dma_start3A_8 = tpu.memref_slice %arg3[%dma_start3A_6, %dma_start3A_7] : memref<100000x128xf32, #tpu.memory_space<hbm>> -> memref<100000x128xf32, #tpu.memory_space<hbm>>
    tpu.enqueue_indirect_dma source(%dma_start3A_8 : memref<100000x128xf32, #tpu.memory_space<hbm>>) target(%arg6 : memref<128x128xf32, #tpu.memory_space<vmem>>) offsets(%dma_start3A_5 : memref<128xi32, #tpu.memory_space<vmem>>) semaphore(%arg11 : memref<!tpu.dma_semaphore, #tpu.memory_space<semaphore_mem>>)
    %dma_start3A_9 = arith.constant 1 : i32
    %dma_start3A_10 = arith.constant 0 : i32
    %dma_start3A_11 = tpu.memref_slice %arg5[%dma_start3A_9, %dma_start3A_10] : memref<50x128xi32, #tpu.memory_space<vmem>> -> memref<1x128xi32, #tpu.memory_space<vmem>>
    %dma_start3A_12 = tpu.memref_squeeze %dma_start3A_11 : memref<1x128xi32, #tpu.memory_space<vmem>> -> memref<128xi32, #tpu.memory_space<vmem>>
    %dma_start3A_13 = arith.constant 0 : i32
    %dma_start3A_14 = arith.constant 0 : i32
    %dma_start3A_15 = tpu.memref_slice %arg3[%dma_start3A_13, %dma_start3A_14] : memref<100000x128xf32, #tpu.memory_space<hbm>> -> memref<100000x128xf32, #tpu.memory_space<hbm>>
    tpu.enqueue_indirect_dma source(%dma_start3A_15 : memref<100000x128xf32, #tpu.memory_space<hbm>>) target(%arg7 : memref<128x128xf32, #tpu.memory_space<vmem>>) offsets(%dma_start3A_12 : memref<128xi32, #tpu.memory_space<vmem>>) semaphore(%arg12 : memref<!tpu.dma_semaphore, #tpu.memory_space<semaphore_mem>>)
    %dma_start3A_16 = arith.constant 2 : i32
    %dma_start3A_17 = arith.constant 0 : i32
    %dma_start3A_18 = tpu.memref_slice %arg5[%dma_start3A_16, %dma_start3A_17] : memref<50x128xi32, #tpu.memory_space<vmem>> -> memref<1x128xi32, #tpu.memory_space<vmem>>
    %dma_start3A_19 = tpu.memref_squeeze %dma_start3A_18 : memref<1x128xi32, #tpu.memory_space<vmem>> -> memref<128xi32, #tpu.memory_space<vmem>>
    %dma_start3A_20 = arith.constant 0 : i32
    %dma_start3A_21 = arith.constant 0 : i32
    %dma_start3A_22 = tpu.memref_slice %arg3[%dma_start3A_20, %dma_start3A_21] : memref<100000x128xf32, #tpu.memory_space<hbm>> -> memref<100000x128xf32, #tpu.memory_space<hbm>>
    tpu.enqueue_indirect_dma source(%dma_start3A_22 : memref<100000x128xf32, #tpu.memory_space<hbm>>) target(%arg8 : memref<128x128xf32, #tpu.memory_space<vmem>>) offsets(%dma_start3A_19 : memref<128xi32, #tpu.memory_space<vmem>>) semaphore(%arg13 : memref<!tpu.dma_semaphore, #tpu.memory_space<semaphore_mem>>)
    %dma_start3A_23 = arith.constant 3 : i32
    %dma_start3A_24 = arith.constant 0 : i32
    %dma_start3A_25 = tpu.memref_slice %arg5[%dma_start3A_23, %dma_start3A_24] : memref<50x128xi32, #tpu.memory_space<vmem>> -> memref<1x128xi32, #tpu.memory_space<vmem>>
    %dma_start3A_26 = tpu.memref_squeeze %dma_start3A_25 : memref<1x128xi32, #tpu.memory_space<vmem>> -> memref<128xi32, #tpu.memory_space<vmem>>
    %dma_start3A_27 = arith.constant 0 : i32
    %dma_start3A_28 = arith.constant 0 : i32
    %dma_start3A_29 = tpu.memref_slice %arg3[%dma_start3A_27, %dma_start3A_28] : memref<100000x128xf32, #tpu.memory_space<hbm>> -> memref<100000x128xf32, #tpu.memory_space<hbm>>
    tpu.enqueue_indirect_dma source(%dma_start3A_29 : memref<100000x128xf32, #tpu.memory_space<hbm>>) target(%arg9 : memref<128x128xf32, #tpu.memory_space<vmem>>) offsets(%dma_start3A_26 : memref<128xi32, #tpu.memory_space<vmem>>) semaphore(%arg14 : memref<!tpu.dma_semaphore, #tpu.memory_space<semaphore_mem>>)
    %dma_start3A_30 = arith.constant 4 : i32
    %dma_start3A_31 = arith.constant 0 : i32
    %dma_start3A_32 = tpu.memref_slice %arg5[%dma_start3A_30, %dma_start3A_31] : memref<50x128xi32, #tpu.memory_space<vmem>> -> memref<1x128xi32, #tpu.memory_space<vmem>>
    %dma_start3A_33 = tpu.memref_squeeze %dma_start3A_32 : memref<1x128xi32, #tpu.memory_space<vmem>> -> memref<128xi32, #tpu.memory_space<vmem>>
    %dma_start3A_34 = arith.constant 0 : i32
    %dma_start3A_35 = arith.constant 0 : i32
    %dma_start3A_36 = tpu.memref_slice %arg3[%dma_start3A_34, %dma_start3A_35] : memref<100000x128xf32, #tpu.memory_space<hbm>> -> memref<100000x128xf32, #tpu.memory_space<hbm>>
    tpu.enqueue_indirect_dma source(%dma_start3A_36 : memref<100000x128xf32, #tpu.memory_space<hbm>>) target(%arg10 : memref<128x128xf32, #tpu.memory_space<vmem>>) offsets(%dma_start3A_33 : memref<128xi32, #tpu.memory_space<vmem>>) semaphore(%arg15 : memref<!tpu.dma_semaphore, #tpu.memory_space<semaphore_mem>>)
    %scan3A = arith.constant 0 : i32
    %scan3A_37 = arith.constant 0 : i32
    %scan3A_38 = arith.constant 10 : i32
    %scan3A_39 = arith.addi %scan3A_37, %scan3A_38 : i32
    %scan3A_40 = arith.constant 1 : i32
    scf.for %scan3A_71 = %scan3A_37 to %scan3A_39 step %scan3A_40  : i32 {
      %mul3A_72 = arith.constant 5 : i32
      %mul3A_73 = arith.muli %scan3A_71, %mul3A_72 : i32
      %add3A_74 = arith.constant 0 : i32
      %add3A_75 = arith.addi %mul3A_73, %add3A_74 : i32
      %dma_wait3A_76 = arith.constant 0 : i32
      %dma_wait3A_77 = tpu.memref_slice %arg5[%add3A_75, %dma_wait3A_76] : memref<50x128xi32, #tpu.memory_space<vmem>> -> memref<1x128xi32, #tpu.memory_space<vmem>>
      %dma_wait3A_78 = tpu.memref_squeeze %dma_wait3A_77 : memref<1x128xi32, #tpu.memory_space<vmem>> -> memref<128xi32, #tpu.memory_space<vmem>>
      %dma_wait3A_79 = arith.constant 0 : i32
      %dma_wait3A_80 = arith.constant 0 : i32
      %dma_wait3A_81 = tpu.memref_slice %arg3[%dma_wait3A_79, %dma_wait3A_80] : memref<100000x128xf32, #tpu.memory_space<hbm>> -> memref<100000x128xf32, #tpu.memory_space<hbm>>
      tpu.wait_indirect_dma semaphore(%arg11 : memref<!tpu.dma_semaphore, #tpu.memory_space<semaphore_mem>>) src(%dma_wait3A_81 : memref<100000x128xf32, #tpu.memory_space<hbm>>) dst(%arg6 : memref<128x128xf32, #tpu.memory_space<vmem>>)
      %mul3A_82 = arith.constant 128 : i32
      %mul3A_83 = arith.muli %add3A_75, %mul3A_82 : i32
      %add3A_84 = arith.addi %mul3A_2, %mul3A_83 : i32
      %dma_start3A_85 = arith.constant 0 : i32
      %dma_start3A_86 = tpu.memref_slice %arg4[%add3A_84, %dma_start3A_85] : memref<204800x128xf32, #tpu.memory_space<hbm>> -> memref<128x128xf32, #tpu.memory_space<hbm>>
      %dma_start3A_87 = arith.constant 0 : i32
      %dma_start3A_88 = tpu.memref_slice %arg4[%add3A_84, %dma_start3A_87] : memref<204800x128xf32, #tpu.memory_space<hbm>> -> memref<128x128xf32, #tpu.memory_space<hbm>>
      tpu.enqueue_dma source(%arg6 : memref<128x128xf32, #tpu.memory_space<vmem>>) target(%dma_start3A_88 : memref<128x128xf32, #tpu.memory_space<hbm>>) target_semaphore(%arg16 : memref<!tpu.dma_semaphore, #tpu.memory_space<semaphore_mem>>)
      %sub3A = arith.constant 3 : i32
      %sub3A_89 = arith.subi %add3A_75, %sub3A : i32
      %ge3A = arith.constant 0 : i32
      %ge3A_90 = arith.cmpi sge, %sub3A_89, %ge3A : i32
      %add3A_91 = arith.constant 5 : i32
      %add3A_92 = arith.addi %sub3A_89, %add3A_91 : i32
      %lt3A = arith.constant 50 : i32
      %lt3A_93 = arith.cmpi slt, %add3A_92, %lt3A : i32
      %and3A = arith.andi %ge3A_90, %lt3A_93 : i1
      %convert_element_type3A = arith.extui %and3A : i1 to i32
      %cond3A = arith.constant 0 : i32
      %cond3A_94 = arith.cmpi ne, %convert_element_type3A, %cond3A : i32
      scf.if %cond3A_94 {
        %mul3A_211 = arith.constant 128 : i32
        %mul3A_212 = arith.muli %sub3A_89, %mul3A_211 : i32
        %add3A_213 = arith.addi %mul3A_2, %mul3A_212 : i32
        %dma_wait3A_214 = arith.constant 0 : i32
        %dma_wait3A_215 = tpu.memref_slice %arg4[%add3A_213, %dma_wait3A_214] : memref<204800x128xf32, #tpu.memory_space<hbm>> -> memref<128x128xf32, #tpu.memory_space<hbm>>
        %dma_wait3A_216 = arith.constant 0 : i32
        %dma_wait3A_217 = tpu.memref_slice %arg4[%add3A_213, %dma_wait3A_216] : memref<204800x128xf32, #tpu.memory_space<hbm>> -> memref<128x128xf32, #tpu.memory_space<hbm>>
        tpu.wait_dma2 semaphore(%arg18 : memref<!tpu.dma_semaphore, #tpu.memory_space<semaphore_mem>>) src(%arg8 : memref<128x128xf32, #tpu.memory_space<vmem>>) dst(%dma_wait3A_217 : memref<128x128xf32, #tpu.memory_space<hbm>>)
        %add3A_218 = arith.constant 5 : i32
        %add3A_219 = arith.addi %sub3A_89, %add3A_218 : i32
        %dma_start3A_220 = arith.constant 0 : i32
        %dma_start3A_221 = tpu.memref_slice %arg5[%add3A_219, %dma_start3A_220] : memref<50x128xi32, #tpu.memory_space<vmem>> -> memref<1x128xi32, #tpu.memory_space<vmem>>
        %dma_start3A_222 = tpu.memref_squeeze %dma_start3A_221 : memref<1x128xi32, #tpu.memory_space<vmem>> -> memref<128xi32, #tpu.memory_space<vmem>>
        %dma_start3A_223 = arith.constant 0 : i32
        %dma_start3A_224 = arith.constant 0 : i32
        %dma_start3A_225 = tpu.memref_slice %arg3[%dma_start3A_223, %dma_start3A_224] : memref<100000x128xf32, #tpu.memory_space<hbm>> -> memref<100000x128xf32, #tpu.memory_space<hbm>>
        tpu.enqueue_indirect_dma source(%dma_start3A_225 : memref<100000x128xf32, #tpu.memory_space<hbm>>) target(%arg8 : memref<128x128xf32, #tpu.memory_space<vmem>>) offsets(%dma_start3A_222 : memref<128xi32, #tpu.memory_space<vmem>>) semaphore(%arg13 : memref<!tpu.dma_semaphore, #tpu.memory_space<semaphore_mem>>)
      } else {
      }
      %mul3A_95 = arith.constant 5 : i32
      %mul3A_96 = arith.muli %scan3A_71, %mul3A_95 : i32
      %add3A_97 = arith.constant 1 : i32
      %add3A_98 = arith.addi %mul3A_96, %add3A_97 : i32
      %dma_wait3A_99 = arith.constant 0 : i32
      %dma_wait3A_100 = tpu.memref_slice %arg5[%add3A_98, %dma_wait3A_99] : memref<50x128xi32, #tpu.memory_space<vmem>> -> memref<1x128xi32, #tpu.memory_space<vmem>>
      %dma_wait3A_101 = tpu.memref_squeeze %dma_wait3A_100 : memref<1x128xi32, #tpu.memory_space<vmem>> -> memref<128xi32, #tpu.memory_space<vmem>>
      %dma_wait3A_102 = arith.constant 0 : i32
      %dma_wait3A_103 = arith.constant 0 : i32
      %dma_wait3A_104 = tpu.memref_slice %arg3[%dma_wait3A_102, %dma_wait3A_103] : memref<100000x128xf32, #tpu.memory_space<hbm>> -> memref<100000x128xf32, #tpu.memory_space<hbm>>
      tpu.wait_indirect_dma semaphore(%arg12 : memref<!tpu.dma_semaphore, #tpu.memory_space<semaphore_mem>>) src(%dma_wait3A_104 : memref<100000x128xf32, #tpu.memory_space<hbm>>) dst(%arg7 : memref<128x128xf32, #tpu.memory_space<vmem>>)
      %mul3A_105 = arith.constant 128 : i32
      %mul3A_106 = arith.muli %add3A_98, %mul3A_105 : i32
      %add3A_107 = arith.addi %mul3A_2, %mul3A_106 : i32
      %dma_start3A_108 = arith.constant 0 : i32
      %dma_start3A_109 = tpu.memref_slice %arg4[%add3A_107, %dma_start3A_108] : memref<204800x128xf32, #tpu.memory_space<hbm>> -> memref<128x128xf32, #tpu.memory_space<hbm>>
      %dma_start3A_110 = arith.constant 0 : i32
      %dma_start3A_111 = tpu.memref_slice %arg4[%add3A_107, %dma_start3A_110] : memref<204800x128xf32, #tpu.memory_space<hbm>> -> memref<128x128xf32, #tpu.memory_space<hbm>>
      tpu.enqueue_dma source(%arg7 : memref<128x128xf32, #tpu.memory_space<vmem>>) target(%dma_start3A_111 : memref<128x128xf32, #tpu.memory_space<hbm>>) target_semaphore(%arg17 : memref<!tpu.dma_semaphore, #tpu.memory_space<semaphore_mem>>)
      %sub3A_112 = arith.constant 3 : i32
      %sub3A_113 = arith.subi %add3A_98, %sub3A_112 : i32
      %ge3A_114 = arith.constant 0 : i32
      %ge3A_115 = arith.cmpi sge, %sub3A_113, %ge3A_114 : i32
      %add3A_116 = arith.constant 5 : i32
      %add3A_117 = arith.addi %sub3A_113, %add3A_116 : i32
      %lt3A_118 = arith.constant 50 : i32
      %lt3A_119 = arith.cmpi slt, %add3A_117, %lt3A_118 : i32
      %and3A_120 = arith.andi %ge3A_115, %lt3A_119 : i1
      %convert_element_type3A_121 = arith.extui %and3A_120 : i1 to i32
      %cond3A_122 = arith.constant 0 : i32
      %cond3A_123 = arith.cmpi ne, %convert_element_type3A_121, %cond3A_122 : i32
      scf.if %cond3A_123 {
        %mul3A_211 = arith.constant 128 : i32
        %mul3A_212 = arith.muli %sub3A_113, %mul3A_211 : i32
        %add3A_213 = arith.addi %mul3A_2, %mul3A_212 : i32
        %dma_wait3A_214 = arith.constant 0 : i32
        %dma_wait3A_215 = tpu.memref_slice %arg4[%add3A_213, %dma_wait3A_214] : memref<204800x128xf32, #tpu.memory_space<hbm>> -> memref<128x128xf32, #tpu.memory_space<hbm>>
        %dma_wait3A_216 = arith.constant 0 : i32
        %dma_wait3A_217 = tpu.memref_slice %arg4[%add3A_213, %dma_wait3A_216] : memref<204800x128xf32, #tpu.memory_space<hbm>> -> memref<128x128xf32, #tpu.memory_space<hbm>>
        tpu.wait_dma2 semaphore(%arg19 : memref<!tpu.dma_semaphore, #tpu.memory_space<semaphore_mem>>) src(%arg9 : memref<128x128xf32, #tpu.memory_space<vmem>>) dst(%dma_wait3A_217 : memref<128x128xf32, #tpu.memory_space<hbm>>)
        %add3A_218 = arith.constant 5 : i32
        %add3A_219 = arith.addi %sub3A_113, %add3A_218 : i32
        %dma_start3A_220 = arith.constant 0 : i32
        %dma_start3A_221 = tpu.memref_slice %arg5[%add3A_219, %dma_start3A_220] : memref<50x128xi32, #tpu.memory_space<vmem>> -> memref<1x128xi32, #tpu.memory_space<vmem>>
        %dma_start3A_222 = tpu.memref_squeeze %dma_start3A_221 : memref<1x128xi32, #tpu.memory_space<vmem>> -> memref<128xi32, #tpu.memory_space<vmem>>
        %dma_start3A_223 = arith.constant 0 : i32
        %dma_start3A_224 = arith.constant 0 : i32
        %dma_start3A_225 = tpu.memref_slice %arg3[%dma_start3A_223, %dma_start3A_224] : memref<100000x128xf32, #tpu.memory_space<hbm>> -> memref<100000x128xf32, #tpu.memory_space<hbm>>
        tpu.enqueue_indirect_dma source(%dma_start3A_225 : memref<100000x128xf32, #tpu.memory_space<hbm>>) target(%arg9 : memref<128x128xf32, #tpu.memory_space<vmem>>) offsets(%dma_start3A_222 : memref<128xi32, #tpu.memory_space<vmem>>) semaphore(%arg14 : memref<!tpu.dma_semaphore, #tpu.memory_space<semaphore_mem>>)
      } else {
      }
      %mul3A_124 = arith.constant 5 : i32
      %mul3A_125 = arith.muli %scan3A_71, %mul3A_124 : i32
      %add3A_126 = arith.constant 2 : i32
      %add3A_127 = arith.addi %mul3A_125, %add3A_126 : i32
      %dma_wait3A_128 = arith.constant 0 : i32
      %dma_wait3A_129 = tpu.memref_slice %arg5[%add3A_127, %dma_wait3A_128] : memref<50x128xi32, #tpu.memory_space<vmem>> -> memref<1x128xi32, #tpu.memory_space<vmem>>
      %dma_wait3A_130 = tpu.memref_squeeze %dma_wait3A_129 : memref<1x128xi32, #tpu.memory_space<vmem>> -> memref<128xi32, #tpu.memory_space<vmem>>
      %dma_wait3A_131 = arith.constant 0 : i32
      %dma_wait3A_132 = arith.constant 0 : i32
      %dma_wait3A_133 = tpu.memref_slice %arg3[%dma_wait3A_131, %dma_wait3A_132] : memref<100000x128xf32, #tpu.memory_space<hbm>> -> memref<100000x128xf32, #tpu.memory_space<hbm>>
      tpu.wait_indirect_dma semaphore(%arg13 : memref<!tpu.dma_semaphore, #tpu.memory_space<semaphore_mem>>) src(%dma_wait3A_133 : memref<100000x128xf32, #tpu.memory_space<hbm>>) dst(%arg8 : memref<128x128xf32, #tpu.memory_space<vmem>>)
      %mul3A_134 = arith.constant 128 : i32
      %mul3A_135 = arith.muli %add3A_127, %mul3A_134 : i32
      %add3A_136 = arith.addi %mul3A_2, %mul3A_135 : i32
      %dma_start3A_137 = arith.constant 0 : i32
      %dma_start3A_138 = tpu.memref_slice %arg4[%add3A_136, %dma_start3A_137] : memref<204800x128xf32, #tpu.memory_space<hbm>> -> memref<128x128xf32, #tpu.memory_space<hbm>>
      %dma_start3A_139 = arith.constant 0 : i32
      %dma_start3A_140 = tpu.memref_slice %arg4[%add3A_136, %dma_start3A_139] : memref<204800x128xf32, #tpu.memory_space<hbm>> -> memref<128x128xf32, #tpu.memory_space<hbm>>
      tpu.enqueue_dma source(%arg8 : memref<128x128xf32, #tpu.memory_space<vmem>>) target(%dma_start3A_140 : memref<128x128xf32, #tpu.memory_space<hbm>>) target_semaphore(%arg18 : memref<!tpu.dma_semaphore, #tpu.memory_space<semaphore_mem>>)
      %sub3A_141 = arith.constant 3 : i32
      %sub3A_142 = arith.subi %add3A_127, %sub3A_141 : i32
      %ge3A_143 = arith.constant 0 : i32
      %ge3A_144 = arith.cmpi sge, %sub3A_142, %ge3A_143 : i32
      %add3A_145 = arith.constant 5 : i32
      %add3A_146 = arith.addi %sub3A_142, %add3A_145 : i32
      %lt3A_147 = arith.constant 50 : i32
      %lt3A_148 = arith.cmpi slt, %add3A_146, %lt3A_147 : i32
      %and3A_149 = arith.andi %ge3A_144, %lt3A_148 : i1
      %convert_element_type3A_150 = arith.extui %and3A_149 : i1 to i32
      %cond3A_151 = arith.constant 0 : i32
      %cond3A_152 = arith.cmpi ne, %convert_element_type3A_150, %cond3A_151 : i32
      scf.if %cond3A_152 {
        %mul3A_211 = arith.constant 128 : i32
        %mul3A_212 = arith.muli %sub3A_142, %mul3A_211 : i32
        %add3A_213 = arith.addi %mul3A_2, %mul3A_212 : i32
        %dma_wait3A_214 = arith.constant 0 : i32
        %dma_wait3A_215 = tpu.memref_slice %arg4[%add3A_213, %dma_wait3A_214] : memref<204800x128xf32, #tpu.memory_space<hbm>> -> memref<128x128xf32, #tpu.memory_space<hbm>>
        %dma_wait3A_216 = arith.constant 0 : i32
        %dma_wait3A_217 = tpu.memref_slice %arg4[%add3A_213, %dma_wait3A_216] : memref<204800x128xf32, #tpu.memory_space<hbm>> -> memref<128x128xf32, #tpu.memory_space<hbm>>
        tpu.wait_dma2 semaphore(%arg20 : memref<!tpu.dma_semaphore, #tpu.memory_space<semaphore_mem>>) src(%arg10 : memref<128x128xf32, #tpu.memory_space<vmem>>) dst(%dma_wait3A_217 : memref<128x128xf32, #tpu.memory_space<hbm>>)
        %add3A_218 = arith.constant 5 : i32
        %add3A_219 = arith.addi %sub3A_142, %add3A_218 : i32
        %dma_start3A_220 = arith.constant 0 : i32
        %dma_start3A_221 = tpu.memref_slice %arg5[%add3A_219, %dma_start3A_220] : memref<50x128xi32, #tpu.memory_space<vmem>> -> memref<1x128xi32, #tpu.memory_space<vmem>>
        %dma_start3A_222 = tpu.memref_squeeze %dma_start3A_221 : memref<1x128xi32, #tpu.memory_space<vmem>> -> memref<128xi32, #tpu.memory_space<vmem>>
        %dma_start3A_223 = arith.constant 0 : i32
        %dma_start3A_224 = arith.constant 0 : i32
        %dma_start3A_225 = tpu.memref_slice %arg3[%dma_start3A_223, %dma_start3A_224] : memref<100000x128xf32, #tpu.memory_space<hbm>> -> memref<100000x128xf32, #tpu.memory_space<hbm>>
        tpu.enqueue_indirect_dma source(%dma_start3A_225 : memref<100000x128xf32, #tpu.memory_space<hbm>>) target(%arg10 : memref<128x128xf32, #tpu.memory_space<vmem>>) offsets(%dma_start3A_222 : memref<128xi32, #tpu.memory_space<vmem>>) semaphore(%arg15 : memref<!tpu.dma_semaphore, #tpu.memory_space<semaphore_mem>>)
      } else {
      }
      %mul3A_153 = arith.constant 5 : i32
      %mul3A_154 = arith.muli %scan3A_71, %mul3A_153 : i32
      %add3A_155 = arith.constant 3 : i32
      %add3A_156 = arith.addi %mul3A_154, %add3A_155 : i32
      %dma_wait3A_157 = arith.constant 0 : i32
      %dma_wait3A_158 = tpu.memref_slice %arg5[%add3A_156, %dma_wait3A_157] : memref<50x128xi32, #tpu.memory_space<vmem>> -> memref<1x128xi32, #tpu.memory_space<vmem>>
      %dma_wait3A_159 = tpu.memref_squeeze %dma_wait3A_158 : memref<1x128xi32, #tpu.memory_space<vmem>> -> memref<128xi32, #tpu.memory_space<vmem>>
      %dma_wait3A_160 = arith.constant 0 : i32
      %dma_wait3A_161 = arith.constant 0 : i32
      %dma_wait3A_162 = tpu.memref_slice %arg3[%dma_wait3A_160, %dma_wait3A_161] : memref<100000x128xf32, #tpu.memory_space<hbm>> -> memref<100000x128xf32, #tpu.memory_space<hbm>>
      tpu.wait_indirect_dma semaphore(%arg14 : memref<!tpu.dma_semaphore, #tpu.memory_space<semaphore_mem>>) src(%dma_wait3A_162 : memref<100000x128xf32, #tpu.memory_space<hbm>>) dst(%arg9 : memref<128x128xf32, #tpu.memory_space<vmem>>)
      %mul3A_163 = arith.constant 128 : i32
      %mul3A_164 = arith.muli %add3A_156, %mul3A_163 : i32
      %add3A_165 = arith.addi %mul3A_2, %mul3A_164 : i32
      %dma_start3A_166 = arith.constant 0 : i32
      %dma_start3A_167 = tpu.memref_slice %arg4[%add3A_165, %dma_start3A_166] : memref<204800x128xf32, #tpu.memory_space<hbm>> -> memref<128x128xf32, #tpu.memory_space<hbm>>
      %dma_start3A_168 = arith.constant 0 : i32
      %dma_start3A_169 = tpu.memref_slice %arg4[%add3A_165, %dma_start3A_168] : memref<204800x128xf32, #tpu.memory_space<hbm>> -> memref<128x128xf32, #tpu.memory_space<hbm>>
      tpu.enqueue_dma source(%arg9 : memref<128x128xf32, #tpu.memory_space<vmem>>) target(%dma_start3A_169 : memref<128x128xf32, #tpu.memory_space<hbm>>) target_semaphore(%arg19 : memref<!tpu.dma_semaphore, #tpu.memory_space<semaphore_mem>>)
      %sub3A_170 = arith.constant 3 : i32
      %sub3A_171 = arith.subi %add3A_156, %sub3A_170 : i32
      %ge3A_172 = arith.constant 0 : i32
      %ge3A_173 = arith.cmpi sge, %sub3A_171, %ge3A_172 : i32
      %add3A_174 = arith.constant 5 : i32
      %add3A_175 = arith.addi %sub3A_171, %add3A_174 : i32
      %lt3A_176 = arith.constant 50 : i32
      %lt3A_177 = arith.cmpi slt, %add3A_175, %lt3A_176 : i32
      %and3A_178 = arith.andi %ge3A_173, %lt3A_177 : i1
      %convert_element_type3A_179 = arith.extui %and3A_178 : i1 to i32
      %cond3A_180 = arith.constant 0 : i32
      %cond3A_181 = arith.cmpi ne, %convert_element_type3A_179, %cond3A_180 : i32
      scf.if %cond3A_181 {
        %mul3A_211 = arith.constant 128 : i32
        %mul3A_212 = arith.muli %sub3A_171, %mul3A_211 : i32
        %add3A_213 = arith.addi %mul3A_2, %mul3A_212 : i32
        %dma_wait3A_214 = arith.constant 0 : i32
        %dma_wait3A_215 = tpu.memref_slice %arg4[%add3A_213, %dma_wait3A_214] : memref<204800x128xf32, #tpu.memory_space<hbm>> -> memref<128x128xf32, #tpu.memory_space<hbm>>
        %dma_wait3A_216 = arith.constant 0 : i32
        %dma_wait3A_217 = tpu.memref_slice %arg4[%add3A_213, %dma_wait3A_216] : memref<204800x128xf32, #tpu.memory_space<hbm>> -> memref<128x128xf32, #tpu.memory_space<hbm>>
        tpu.wait_dma2 semaphore(%arg16 : memref<!tpu.dma_semaphore, #tpu.memory_space<semaphore_mem>>) src(%arg6 : memref<128x128xf32, #tpu.memory_space<vmem>>) dst(%dma_wait3A_217 : memref<128x128xf32, #tpu.memory_space<hbm>>)
        %add3A_218 = arith.constant 5 : i32
        %add3A_219 = arith.addi %sub3A_171, %add3A_218 : i32
        %dma_start3A_220 = arith.constant 0 : i32
        %dma_start3A_221 = tpu.memref_slice %arg5[%add3A_219, %dma_start3A_220] : memref<50x128xi32, #tpu.memory_space<vmem>> -> memref<1x128xi32, #tpu.memory_space<vmem>>
        %dma_start3A_222 = tpu.memref_squeeze %dma_start3A_221 : memref<1x128xi32, #tpu.memory_space<vmem>> -> memref<128xi32, #tpu.memory_space<vmem>>
        %dma_start3A_223 = arith.constant 0 : i32
        %dma_start3A_224 = arith.constant 0 : i32
        %dma_start3A_225 = tpu.memref_slice %arg3[%dma_start3A_223, %dma_start3A_224] : memref<100000x128xf32, #tpu.memory_space<hbm>> -> memref<100000x128xf32, #tpu.memory_space<hbm>>
        tpu.enqueue_indirect_dma source(%dma_start3A_225 : memref<100000x128xf32, #tpu.memory_space<hbm>>) target(%arg6 : memref<128x128xf32, #tpu.memory_space<vmem>>) offsets(%dma_start3A_222 : memref<128xi32, #tpu.memory_space<vmem>>) semaphore(%arg11 : memref<!tpu.dma_semaphore, #tpu.memory_space<semaphore_mem>>)
      } else {
      }
      %mul3A_182 = arith.constant 5 : i32
      %mul3A_183 = arith.muli %scan3A_71, %mul3A_182 : i32
      %add3A_184 = arith.constant 4 : i32
      %add3A_185 = arith.addi %mul3A_183, %add3A_184 : i32
      %dma_wait3A_186 = arith.constant 0 : i32
      %dma_wait3A_187 = tpu.memref_slice %arg5[%add3A_185, %dma_wait3A_186] : memref<50x128xi32, #tpu.memory_space<vmem>> -> memref<1x128xi32, #tpu.memory_space<vmem>>
      %dma_wait3A_188 = tpu.memref_squeeze %dma_wait3A_187 : memref<1x128xi32, #tpu.memory_space<vmem>> -> memref<128xi32, #tpu.memory_space<vmem>>
      %dma_wait3A_189 = arith.constant 0 : i32
      %dma_wait3A_190 = arith.constant 0 : i32
      %dma_wait3A_191 = tpu.memref_slice %arg3[%dma_wait3A_189, %dma_wait3A_190] : memref<100000x128xf32, #tpu.memory_space<hbm>> -> memref<100000x128xf32, #tpu.memory_space<hbm>>
      tpu.wait_indirect_dma semaphore(%arg15 : memref<!tpu.dma_semaphore, #tpu.memory_space<semaphore_mem>>) src(%dma_wait3A_191 : memref<100000x128xf32, #tpu.memory_space<hbm>>) dst(%arg10 : memref<128x128xf32, #tpu.memory_space<vmem>>)
      %mul3A_192 = arith.constant 128 : i32
      %mul3A_193 = arith.muli %add3A_185, %mul3A_192 : i32
      %add3A_194 = arith.addi %mul3A_2, %mul3A_193 : i32
      %dma_start3A_195 = arith.constant 0 : i32
      %dma_start3A_196 = tpu.memref_slice %arg4[%add3A_194, %dma_start3A_195] : memref<204800x128xf32, #tpu.memory_space<hbm>> -> memref<128x128xf32, #tpu.memory_space<hbm>>
      %dma_start3A_197 = arith.constant 0 : i32
      %dma_start3A_198 = tpu.memref_slice %arg4[%add3A_194, %dma_start3A_197] : memref<204800x128xf32, #tpu.memory_space<hbm>> -> memref<128x128xf32, #tpu.memory_space<hbm>>
      tpu.enqueue_dma source(%arg10 : memref<128x128xf32, #tpu.memory_space<vmem>>) target(%dma_start3A_198 : memref<128x128xf32, #tpu.memory_space<hbm>>) target_semaphore(%arg20 : memref<!tpu.dma_semaphore, #tpu.memory_space<semaphore_mem>>)
      %sub3A_199 = arith.constant 3 : i32
      %sub3A_200 = arith.subi %add3A_185, %sub3A_199 : i32
      %ge3A_201 = arith.constant 0 : i32
      %ge3A_202 = arith.cmpi sge, %sub3A_200, %ge3A_201 : i32
      %add3A_203 = arith.constant 5 : i32
      %add3A_204 = arith.addi %sub3A_200, %add3A_203 : i32
      %lt3A_205 = arith.constant 50 : i32
      %lt3A_206 = arith.cmpi slt, %add3A_204, %lt3A_205 : i32
      %and3A_207 = arith.andi %ge3A_202, %lt3A_206 : i1
      %convert_element_type3A_208 = arith.extui %and3A_207 : i1 to i32
      %cond3A_209 = arith.constant 0 : i32
      %cond3A_210 = arith.cmpi ne, %convert_element_type3A_208, %cond3A_209 : i32
      scf.if %cond3A_210 {
        %mul3A_211 = arith.constant 128 : i32
        %mul3A_212 = arith.muli %sub3A_200, %mul3A_211 : i32
        %add3A_213 = arith.addi %mul3A_2, %mul3A_212 : i32
        %dma_wait3A_214 = arith.constant 0 : i32
        %dma_wait3A_215 = tpu.memref_slice %arg4[%add3A_213, %dma_wait3A_214] : memref<204800x128xf32, #tpu.memory_space<hbm>> -> memref<128x128xf32, #tpu.memory_space<hbm>>
        %dma_wait3A_216 = arith.constant 0 : i32
        %dma_wait3A_217 = tpu.memref_slice %arg4[%add3A_213, %dma_wait3A_216] : memref<204800x128xf32, #tpu.memory_space<hbm>> -> memref<128x128xf32, #tpu.memory_space<hbm>>
        tpu.wait_dma2 semaphore(%arg17 : memref<!tpu.dma_semaphore, #tpu.memory_space<semaphore_mem>>) src(%arg7 : memref<128x128xf32, #tpu.memory_space<vmem>>) dst(%dma_wait3A_217 : memref<128x128xf32, #tpu.memory_space<hbm>>)
        %add3A_218 = arith.constant 5 : i32
        %add3A_219 = arith.addi %sub3A_200, %add3A_218 : i32
        %dma_start3A_220 = arith.constant 0 : i32
        %dma_start3A_221 = tpu.memref_slice %arg5[%add3A_219, %dma_start3A_220] : memref<50x128xi32, #tpu.memory_space<vmem>> -> memref<1x128xi32, #tpu.memory_space<vmem>>
        %dma_start3A_222 = tpu.memref_squeeze %dma_start3A_221 : memref<1x128xi32, #tpu.memory_space<vmem>> -> memref<128xi32, #tpu.memory_space<vmem>>
        %dma_start3A_223 = arith.constant 0 : i32
        %dma_start3A_224 = arith.constant 0 : i32
        %dma_start3A_225 = tpu.memref_slice %arg3[%dma_start3A_223, %dma_start3A_224] : memref<100000x128xf32, #tpu.memory_space<hbm>> -> memref<100000x128xf32, #tpu.memory_space<hbm>>
        tpu.enqueue_indirect_dma source(%dma_start3A_225 : memref<100000x128xf32, #tpu.memory_space<hbm>>) target(%arg7 : memref<128x128xf32, #tpu.memory_space<vmem>>) offsets(%dma_start3A_222 : memref<128xi32, #tpu.memory_space<vmem>>) semaphore(%arg12 : memref<!tpu.dma_semaphore, #tpu.memory_space<semaphore_mem>>)
      } else {
      }
    }
    %scan3A_41 = arith.constant 10 : i32
    %add3A_42 = arith.constant 5760 : i32
    %add3A_43 = arith.addi %mul3A_2, %add3A_42 : i32
    %dma_wait3A = arith.constant 0 : i32
    %dma_wait3A_44 = tpu.memref_slice %arg4[%add3A_43, %dma_wait3A] : memref<204800x128xf32, #tpu.memory_space<hbm>> -> memref<128x128xf32, #tpu.memory_space<hbm>>
    %dma_wait3A_45 = arith.constant 0 : i32
    %dma_wait3A_46 = tpu.memref_slice %arg4[%add3A_43, %dma_wait3A_45] : memref<204800x128xf32, #tpu.memory_space<hbm>> -> memref<128x128xf32, #tpu.memory_space<hbm>>
    tpu.wait_dma2 semaphore(%arg16 : memref<!tpu.dma_semaphore, #tpu.memory_space<semaphore_mem>>) src(%arg6 : memref<128x128xf32, #tpu.memory_space<vmem>>) dst(%dma_wait3A_46 : memref<128x128xf32, #tpu.memory_space<hbm>>)
    %add3A_47 = arith.constant 5888 : i32
    %add3A_48 = arith.addi %mul3A_2, %add3A_47 : i32
    %dma_wait3A_49 = arith.constant 0 : i32
    %dma_wait3A_50 = tpu.memref_slice %arg4[%add3A_48, %dma_wait3A_49] : memref<204800x128xf32, #tpu.memory_space<hbm>> -> memref<128x128xf32, #tpu.memory_space<hbm>>
    %dma_wait3A_51 = arith.constant 0 : i32
    %dma_wait3A_52 = tpu.memref_slice %arg4[%add3A_48, %dma_wait3A_51] : memref<204800x128xf32, #tpu.memory_space<hbm>> -> memref<128x128xf32, #tpu.memory_space<hbm>>
    tpu.wait_dma2 semaphore(%arg17 : memref<!tpu.dma_semaphore, #tpu.memory_space<semaphore_mem>>) src(%arg7 : memref<128x128xf32, #tpu.memory_space<vmem>>) dst(%dma_wait3A_52 : memref<128x128xf32, #tpu.memory_space<hbm>>)
    %add3A_53 = arith.constant 6016 : i32
    %add3A_54 = arith.addi %mul3A_2, %add3A_53 : i32
    %dma_wait3A_55 = arith.constant 0 : i32
    %dma_wait3A_56 = tpu.memref_slice %arg4[%add3A_54, %dma_wait3A_55] : memref<204800x128xf32, #tpu.memory_space<hbm>> -> memref<128x128xf32, #tpu.memory_space<hbm>>
    %dma_wait3A_57 = arith.constant 0 : i32
    %dma_wait3A_58 = tpu.memref_slice %arg4[%add3A_54, %dma_wait3A_57] : memref<204800x128xf32, #tpu.memory_space<hbm>> -> memref<128x128xf32, #tpu.memory_space<hbm>>
    tpu.wait_dma2 semaphore(%arg18 : memref<!tpu.dma_semaphore, #tpu.memory_space<semaphore_mem>>) src(%arg8 : memref<128x128xf32, #tpu.memory_space<vmem>>) dst(%dma_wait3A_58 : memref<128x128xf32, #tpu.memory_space<hbm>>)
    %add3A_59 = arith.constant 6144 : i32
    %add3A_60 = arith.addi %mul3A_2, %add3A_59 : i32
    %dma_wait3A_61 = arith.constant 0 : i32
    %dma_wait3A_62 = tpu.memref_slice %arg4[%add3A_60, %dma_wait3A_61] : memref<204800x128xf32, #tpu.memory_space<hbm>> -> memref<128x128xf32, #tpu.memory_space<hbm>>
    %dma_wait3A_63 = arith.constant 0 : i32
    %dma_wait3A_64 = tpu.memref_slice %arg4[%add3A_60, %dma_wait3A_63] : memref<204800x128xf32, #tpu.memory_space<hbm>> -> memref<128x128xf32, #tpu.memory_space<hbm>>
    tpu.wait_dma2 semaphore(%arg19 : memref<!tpu.dma_semaphore, #tpu.memory_space<semaphore_mem>>) src(%arg9 : memref<128x128xf32, #tpu.memory_space<vmem>>) dst(%dma_wait3A_64 : memref<128x128xf32, #tpu.memory_space<hbm>>)
    %add3A_65 = arith.constant 6272 : i32
    %add3A_66 = arith.addi %mul3A_2, %add3A_65 : i32
    %dma_wait3A_67 = arith.constant 0 : i32
    %dma_wait3A_68 = tpu.memref_slice %arg4[%add3A_66, %dma_wait3A_67] : memref<204800x128xf32, #tpu.memory_space<hbm>> -> memref<128x128xf32, #tpu.memory_space<hbm>>
    %dma_wait3A_69 = arith.constant 0 : i32
    %dma_wait3A_70 = tpu.memref_slice %arg4[%add3A_66, %dma_wait3A_69] : memref<204800x128xf32, #tpu.memory_space<hbm>> -> memref<128x128xf32, #tpu.memory_space<hbm>>
    tpu.wait_dma2 semaphore(%arg20 : memref<!tpu.dma_semaphore, #tpu.memory_space<semaphore_mem>>) src(%arg10 : memref<128x128xf32, #tpu.memory_space<vmem>>) dst(%dma_wait3A_70 : memref<128x128xf32, #tpu.memory_space<hbm>>)
    return
  }
}

</mosaic_0001>

<sc_bundles>
// kernel: kernel.3.cloned.1.call-start
scs
__scs_entry_jumppad:
0x0: {  	(pc) =	sbr.rel $0x88, $3  }
0x1: {  	(tag) =	ssettag $0x0;
	lr =	simm.s32 $0x1  }
0x2: {  	[smem:$0x3F9F] =	sst lr;
	_ =	strace $0xD0000000  }
0x3: {  	_ = 	snop  }
0x4: {  	_ = 	snop  }
0x5: {  	_ = 	snop  }
0x6: {  	_ = 	snop  }
0x7: {  	_ = 	snop  }
__scs_overlays_trampoline_lowered:
0x8: {  	[smem:$0x3FAE] =	sst s0  }
0x9: {  	[smem:$0x3FAF] =	sst s1  }
0xa: {  	[smem:$0x3FB0] =	sst s2  }
0xb: {  	[smem:$0x3FB1] =	sst s3  }
0xc: {  	[smem:$0x3FB2] =	sst s4  }
0xd: {  	[smem:$0x3FB3] =	sst s5  }
0xe: {  	[smem:$0x3FB4] =	sst s6  }
0xf: {  	[smem:$0x3FB5] =	sst s7  }
0x10: {  	[smem:$0x3FB6] =	sst s8  }
0x11: {  	[smem:$0x3FB7] =	sst s9;
	s0 =	simm.s32 @!p0 $0x0  }
0x12: {  	s1 =	sld [smem:$0x3F9D];
	s0 =	simm.s32 @p0 $0x1  }
0x13: {  	[smem:$0x3FB8] =	sst s0;
	s0 =	simm.s32 @!p1 $0x0  }
0x14: {  	s2 =	sld [smem:$0x3F9C];
	s0 =	simm.s32 @p1 $0x1  }
0x15: {  	[smem:$0x3FB9] =	sst s0;
	s0 =	simm.s32 @!p2 $0x0  }
0x16: {  	s3 =	sld [smem:$0x3FDB];
	s0 =	simm.s32 @p2 $0x1  }
0x17: {  	s4 =	simm.s32 $0x1BF5;
	[smem:$0x3FBB] =	sst s0  }
0x18: {  	s0 =	sld [smem:$0x3F9E];
	_ =	swait.ge [sflag:s4], $0x0  }
0x19: {  	s7 =	sld [smem:$0x3F9F]  }
0x1a: {  	s8 =	sadd.s32 $0xFFFFE003, lr  }
0x1b: {  	s9 =	sadd.s32 $0xFFFFFEF7, lr;
	s5 =	simm.s32 $0xFFFFFFFF;
	p2 =	slt.u32 s8, $0xFFFFF086  }
0x1c: {  	p1 =	slt.u32 s9, $0xF7A;
	s5 =	simm.s32 @!p2 $0x0  }
0x1d: {  	s5 =	simm.s32 @p1 $0x1;
	p0 =	seq.s32 s7, s2  }
0x1e: {  	s7 =	smul.u32 @!p0 $0xF7A, s2;
	p2 =	seq.s32 @!p0 s5, $0x0  }
0x1f: {  	s9 =	smul.u32 $0xF7A, s1;
	s8 =	simm.s32 @!p0 $0x1BF5;
	p2 =	por !p2, p0  }
0x20: {  	[sflag:s8] =	ssyncset.s32 @!p0 $0xFFFFF086;
	s6 =	sadd.s32 @!p0 s3, s7;
	s7 =	simm.s32 @!p0 $0x108  }
0x21: {  	s3 =	sadd.s32 s3, s9;
	s6 =	sadd.s32 @!p0 $0x88, s6;
	s7 =	simm.s32 @p2 $0x1082  }
0x22: {  	[simem:s7], [sflag:s8] =	dma.local @!p0 [hbm:s6], $0xF7A  }
0x23: {  	s9 =	sor.u32 $0xD0000000, s2;
	s6 =	simm.s32 $0x108;
	_ =	swait.ge @!p0 [sflag:s8], $0x0  }
0x24: {  	s3 =	sadd.s32 $0x88, s3;
	s6 =	simm.s32 @!p1 $0x1082;
	[sflag:s4] =	ssyncset.s32 $0xFFFFF086  }
0x25: {  	[simem:s6], [sflag:s4] =	dma.local [hbm:s3], $0xF7A  }
0x26: {  	[smem:$0x3F9F] =	sst s1;
	(tag) =	ssettag s2;
	_ =	strace s9  }
0x27: {  	s1 =	sld [smem:$0x3FAF]  }
0x28: {  	s2 =	sld [smem:$0x3FB0]  }
0x29: {  	s4 =	sld [smem:$0x3FB2]  }
0x2a: {  	p0 =	seq.s32 s5, $0x0;
	s5 =	sld [smem:$0x3FB3]  }
0x2b: {  	s6 =	sld [smem:$0x3FB4]  }
0x2c: {  	s7 =	sld [smem:$0x3FB5]  }
0x2d: {  	s3 =	simm.s32 $0x108;
	s8 =	sld [smem:$0x3FB6]  }
0x2e: {  	s3 =	simm.s32 @!p0 $0x1082;
	s9 =	sld [smem:$0x3FB7]  }
0x2f: {  	lr =	sadd.s32 s0, s3;
	s0 =	sld [smem:$0x3FAE]  }
0x30: {  	s3 =	sld [smem:$0x3FB1]  }
0x31: {  	[smem:$0x3FBA] =	sst s10  }
0x32: {  	s10 =	sld [smem:$0x3FB8];
	_ =	sdelay $0x3  }
0x33: {  	p0 =	seq.s32 s10, $0x1;
	s10 =	sld [smem:$0x3FBA];
	_ =	sdelay $0x3  }
0x34: {  	[smem:$0x3FBA] =	sst s10  }
0x35: {  	s10 =	sld [smem:$0x3FB9];
	_ =	sdelay $0x3  }
0x36: {  	p1 =	seq.s32 s10, $0x1;
	s10 =	sld [smem:$0x3FBA];
	_ =	sdelay $0x3  }
0x37: {  	[smem:$0x3FBA] =	sst s10  }
0x38: {  	s10 =	sld [smem:$0x3FBB]  }
0x39: {  	_ = 	snop;
	(pc) =	sbr.ind lr, $3  }
0x3a: {  	_ = 	snop  }
0x3b: {  	_ = 	snop  }
0x3c: {  	p2 =	seq.s32 s10, $0x1;
	s10 =	sld [smem:$0x3FBA]  }
0x3d: {  	_ =	shalt  }
0x3e: {  	_ =	shalt  }
0x3f: {  	_ =	shalt  }
0x40: {  	_ =	shalt  }
0x41: {  	_ =	shalt  }
0x42: {  	_ =	shalt  }
0x43: {  	_ =	shalt  }
0x44: {  	_ =	shalt  }
0x45: {  	_ =	shalt  }
0x46: {  	_ =	shalt  }
0x47: {  	_ =	shalt  }
0x48: {  	_ =	shalt  }
0x49: {  	_ =	shalt  }
0x4a: {  	_ =	shalt  }
0x4b: {  	_ =	shalt  }
0x4c: {  	_ =	shalt  }
0x4d: {  	_ =	shalt  }
0x4e: {  	_ =	shalt  }
0x4f: {  	_ =	shalt  }
0x50: {  	_ =	shalt  }
0x51: {  	_ =	shalt  }
0x52: {  	_ =	shalt  }
0x53: {  	_ =	shalt  }
0x54: {  	_ =	shalt  }
0x55: {  	_ =	shalt  }
0x56: {  	_ =	shalt  }
0x57: {  	_ =	shalt  }
0x58: {  	_ =	shalt  }
0x59: {  	_ =	shalt  }
0x5a: {  	_ =	shalt  }
0x5b: {  	_ =	shalt  }
0x5c: {  	_ =	shalt  }
0x5d: {  	_ =	shalt  }
0x5e: {  	_ =	shalt  }
0x5f: {  	_ =	shalt  }
0x60: {  	_ =	shalt  }
0x61: {  	_ =	shalt  }
0x62: {  	_ =	shalt  }
0x63: {  	_ =	shalt  }
0x64: {  	_ =	shalt  }
0x65: {  	_ =	shalt  }
0x66: {  	_ =	shalt  }
0x67: {  	_ =	shalt  }
0x68: {  	_ =	shalt  }
0x69: {  	_ =	shalt  }
0x6a: {  	_ =	shalt  }
0x6b: {  	_ =	shalt  }
0x6c: {  	_ =	shalt  }
0x6d: {  	_ =	shalt  }
0x6e: {  	_ =	shalt  }
0x6f: {  	_ =	shalt  }
0x70: {  	_ =	shalt  }
0x71: {  	_ =	shalt  }
0x72: {  	_ =	shalt  }
0x73: {  	_ =	shalt  }
0x74: {  	_ =	shalt  }
0x75: {  	_ =	shalt  }
0x76: {  	_ =	shalt  }
0x77: {  	_ =	shalt  }
0x78: {  	_ =	shalt  }
0x79: {  	_ =	shalt  }
0x7a: {  	_ =	shalt  }
0x7b: {  	_ =	shalt  }
0x7c: {  	_ =	shalt  }
0x7d: {  	_ =	shalt  }
0x7e: {  	_ =	shalt  }
0x7f: {  	_ =	shalt  }
0x80: {  	_ =	shalt  }
0x81: {  	_ =	shalt  }
0x82: {  	_ =	shalt  }
0x83: {  	_ =	shalt  }
0x84: {  	_ =	shalt  }
0x85: {  	_ =	shalt  }
0x86: {  	_ =	shalt  }
0x87: {  	_ =	shalt  }
.Lfunc_end0:
.L_simem_size_0:
called_computation_lowered:
.L_overlay_start_0:
0x88: {  	s2 =	sld [smem:$0x3FD9]  }
0x89: {  	s3 =	sld [smem:$0x3FFE];
	_ =	sdelay $0x1  }
0x8a: {  	s1 =	srdreg.scid  }
0x8b: {  	s0 =	sand.u32 $0x1, s1  }
0x8c: {  	s17 =	sshll.u32 s0, $0xA;
	s2 =	sadd.s32 s3, s2  }
0x8d: {  	s2 =	sadd.s32 s2, s17  }
0x8e: {  	[smem:$0x3FC6] =	sst s2  }
0x8f: {  	_ = 	snop  }
0x90: {  	s2 =	sld [smem:$0x3FC8]  }
0x91: {  	s18 =	sld [smem:$0x3FD0];
	(tm) =	ssettm $0x1  }
0x92: {  	s4 =	sld [smem:$0x3FFB];
	_ =	sdelay $0x3  }
0x93: {  	_ =	strace s4  }
0x94: {  	s4 =	sld [smem:$0x3FFC];
	_ =	sdelay $0x3  }
0x95: {  	_ =	strace s4  }
0x96: {  	s4 =	sld [smem:$0x3FFD];
	_ =	sdelay $0x3  }
0x97: {  	_ =	strace s4  }
0x98: {  	_ =	strace $0x8FFFFFFF  }
0x99: {  	s19 =	sld [smem:$0x3FDB];
	_ =	sdelay $0x1  }
0x9a: {  	s5 =	simm.s32 $_scs_section_size  }
0x9b: {  	s6 =	simm.s32 $_size__tile_overlayer_lowered;
	s7 =	simm.s32 $_tile_overlayer_lowered  }
0x9c: {  	s22 =	simm.s32 $0x1BFF;
	s21 =	sshll.u32 s7, $0x1;
	s4 =	sadd.s32 s5, s19  }
0x9d: {  	s8 =	simm.s32 $0x0;
	s20 =	sshll.u32 s6, $0x1;
	s6 =	sadd.s32 s21, s4  }
0x9e: {  	[timem:s8], [sflag:s22] =	dma.local [hbm:s6], s20  }
0x9f: {  	_ =	swait.ge [sflag:s22], s20  }
0xa0: {  	s5 =	ssub.s32 $0x0, s20;
	[sflag:s22] =	ssyncset.done $0x0  }
0xa1: {  	[sflag:s22] =	ssyncadd.s32 s5;
	_ =	sdelay $0x1  }
0xa2: {  	s23 =	simm.s32 $0x1B8B  }
0xa3: {  	_ =	swait.ge [sflag:s23], $0x1  }
0xa4: {  	[sflag:s23] =	ssyncset.done $0x0  }
0xa5: {  	s25 =	simm.s32 $0x1B8E;
	s24 =	sld [smem:$0x3FFE];
	[sflag:s23] =	ssyncadd.s32 $0xFFFFFFFF  }
0xa6: {  	s26 =	simm.s32 $execute0_lowered;
	[smem:$0x3FD2] =	sst s25  }
0xa7: {  	s6 =	sshll.u32 s26, $0x1;
	_ =	strace $0x80000046;
	[dreg:$0x1] =	wrdreg $0xFFFFFFFF  }
0xa8: {  	s28 =	simm.s32 $_size_execute0_lowered;
	s4 =	sadd.s32 s4, s6;
	[dreg:$0x0] =	wrdreg $0x0  }
0xa9: {  	s6 =	sshll.u32 s28, $0x1;
	[dreg:$0x2] =	wrdreg s4  }
0xaa: {  	[dreg:$0x3] =	wrdreg s6  }
0xab: {  	[dreg:$0x4] =	wrdreg $0xC0  }
0xac: {  	_ =	task [dreg:s8], $0x5FFFF  }
0xad: {  	[dreg:$0x1] =	wrdreg $0xFFFFFFFF  }
0xae: {  	[dreg:$0x0] =	wrdreg $0x60  }
0xaf: {  	[dreg:$0x2] =	wrdreg s24  }
0xb0: {  	[dreg:$0x3] =	wrdreg s2  }
0xb1: {  	[dreg:$0x4] =	wrdreg s18  }
0xb2: {  	[dreg:$0x5] =	wrdreg $0x9  }
0xb3: {  	_ =	task.clear_ibuf [dreg:s8], $0x6FFFF;
	_ =	strace $0x90000046  }
0xb4: {  	s29 =	simm.s32 $0x9;
	_ =	strace $0x80000048  }
0xb5: {  	_ =	swait.ge [sflag:s29], $0x1  }
0xb6: {  	[sflag:s29] =	ssyncadd.s32 $0xFFFFFFFF  }
0xb7: {  	_ =	strace $0x90000048  }
0xb8: {  	_ =	sfence  }
0xb9: {  	s30 =	sld [smem:$0x0];
	_ =	sdelay $0x2  }
0xba: {  	s31 =	sshll.u32 s1, $0xD;
	s1 =	sshrl.u32 s1, $0x2  }
0xbb: {  	s3 =	sand.u32 $0x4000, s31;
	s1 =	sadd.s32 s1, s30  }
0xbc: {  	s0 =	sor.u32 s3, s0;
	s1 =	sshll.u32 s1, $0x11  }
0xbd: {  	s0 =	sor.u32 s1, s0  }
0xbe: {  	s0 =	sadd.s32 $0x8F2B, s0  }
0xbf: {  	[sflag:s0] =	ssyncadd.remote.s32 $0x1  }
0xc0: {  	_ =	sfence.sel $0xFFFF  }
0xc1: {  	[dreg:$0x0] =	wrdreg $0xFFFFFFFF;
	(pc) =	sbr.abs _section_cstart, $3  }
0xc2: {  	[dreg:$0x1] =	wrdreg $0xFFFFFFFF  }
0xc3: {  	_ =	task.clear_ibuf [dreg:s8], $0x2FFFF;
	_ =	strace $0x9FFFFFFF  }
0xc4: {  	(tm) =	ssettm $0x7FFFFFFF  }
0xc5: {  	_ =	shalt  }
tec
execute0_lowered:
.L_overlay_start_1:
0x0: {  	(tag) =	ssettag $0x1  }
0x1: {  	s1 =	rddreg [dreg:$0x0]  }
0x2: {  	s0 =	srdreg.scid;
	s2 =	rddreg [dreg:$0x1]  }
0x3: {  	s9 =	stileid.u32;
	s5 =	rddreg [dreg:$0x2]  }
0x4: {  	s11 =	simm.s32 $0xB;
	s12 =	simm.s32 $0x80;
	s13 =	simm.s32 $0x1C00  }
0x5: {  	s14 =	simm.s32 $0x5C00;
	s16 =	simm.s32 $0x9C00;
	s18 =	simm.s32 $0xDC00  }
0x6: {  	s20 =	simm.s32 $0x11C00;
	s28 =	simm.s32 $0x7;
	s6 =	smul.u32 $0x190000, s9  }
0x7: {  	s0 =	sand.u32 $0x1, s0;
	s3 =	sshll.u32 s9, $0x1;
	s9 =	smul.u32 $0x32000, s9  }
0x8: {  	s29 =	simm.s32 $0x8;
	s30 =	simm.s32 $0x9;
	s7 =	smul.u32 $0xC8000, s0  }
0x9: {  	s3 =	sor.u32 s0, s3;
	s21 =	ssub.s32 $0x2, s0;
	s0 =	smul.u32 $0x19000, s0  }
0xa: {  	s31 =	simm.s32 $0xA;
	s4 =	smul.u32 $0x380, s3;
	s3 =	simm.s32 $0x0  }
0xb: {  	s8 =	sshrl.u32 s21, $0x1;
	s22 =	sadd.s32 s9, s5;
	[smem:$0x7FF] =	sst s3  }
0xc: {  	s6 =	sadd.s32 s7, s6;
	s0 =	sadd.s32 s0, s22;
	s22 =	simm.s32 $0x2  }
0xd: {  	_ =	strace $0x80000047;
	s1 =	sadd.s32 s4, s1;
	s4 =	ssub.s32 s21, s8  }
0xe: {  	s7 =	sadd.s32 $0x10000, s6;
	[dreg:$0x6] =	wrdreg s0;
	s24 =	sadd.s32 $0xC000, s6  }
0xf: {  	s25 =	sadd.s32 $0x8000, s6;
	s6 =	sor.u32 $0x4000, s6;
	s21 =	simm.s32 $0x1  }
0x10: {  	s1 =	sadd.s32 $0x400, s1;
	s7 =	sshrl.u32 s7, $0x3;
	s4 =	smax.u32 s4, $0x1  }
0x11: {  	s0 =	sshrl.u32 s24, $0x3;
	s6 =	sshrl.u32 s6, $0x3;
	[dreg:$0x4] =	wrdreg s1  }
.Ltmp0:
0x12: {  	[dreg:$0x5] =	wrdreg s4;
	s23 =	sadd.s32 s7, s5;
	(pc) =	sbr.rel .LBB2_1-.Ltmp0, $4  }
0x13: {  	s24 =	simm.s32 $0x4;
	s0 =	sadd.s32 s0, s5;
	[dreg:$0x7] =	wrdreg s23  }
0x14: {  	s1 =	sshrl.u32 s25, $0x3;
	s25 =	simm.s32 $0x5;
	[dreg:$0x8] =	wrdreg s0  }
0x15: {  	s26 =	sadd.s32 s1, s5;
	s0 =	sadd.s32 s6, s5;
	s23 =	simm.s32 $0x3  }
0x16: {  	s1 =	simm.s32 $0x0;
	[dreg:$0x9] =	wrdreg s26;
	s26 =	simm.s32 $0x6  }
.LBB2_4:
0x17: {  	_ =	swait.ge [sflag:s26], $0x4000  }
0x18: {  	[sflag:s26] =	ssyncset.done $0x0  }
0x19: {  	[sflag:s26] =	ssyncadd.s32 $0xFFFFC000  }
0x1a: {  	_ =	swait.ge [sflag:s28], $0x4000  }
0x1b: {  	[sflag:s28] =	ssyncset.done $0x0  }
0x1c: {  	[sflag:s28] =	ssyncadd.s32 $0xFFFFC000  }
0x1d: {  	_ =	swait.ge [sflag:s29], $0x4000  }
0x1e: {  	[sflag:s29] =	ssyncset.done $0x0  }
0x1f: {  	[sflag:s29] =	ssyncadd.s32 $0xFFFFC000  }
0x20: {  	_ =	swait.ge [sflag:s30], $0x4000  }
0x21: {  	[sflag:s30] =	ssyncset.done $0x0  }
0x22: {  	[sflag:s30] =	ssyncadd.s32 $0xFFFFC000  }
0x23: {  	_ =	swait.ge [sflag:s31], $0x4000  }
0x24: {  	s1 =	sadd.s32 $0x1, s1;
	s4 =	rddreg [dreg:$0x5]  }
0x25: {  	p0 =	sne.s32 s1, s4  }
.Ltmp1:
0x26: {  	_ = 	snop;
	(pc) =	sbr.rel @!p0 .LBB2_5-.Ltmp1, $3  }
0x27: {  	_ =	sdelay $0x1  }
0x28: {  	[sflag:s31] =	ssyncset.done $0x0  }
0x29: {  	[sflag:s31] =	ssyncadd.s32 $0xFFFFC000  }
.LBB2_1:
0x2a: {  	s4 =	rddreg [dreg:$0x4]  }
0x2b: {  	[tilespmem:s3], [sflag:$0xB] =	stream.linear.gather [hbm4b:s4+s3], $0x1900, $0x38;
	[tilespmem:$0x15C00] =	vst v63  }
0x2c: {  	_ =	swait.ge [sflag:s11], $0x1900  }
0x2d: {  	[sflag:s11] =	ssyncset.done $0x0  }
0x2e: {  	[sflag:s11] =	ssyncadd.s32 $0xFFFFE700  }
0x2f: {  	[tilespmem:s13], [sflag:$0x1] =	stream.indirect.gather [hbm4b:s2+s12], $0x80, s3, s12, $0xb8;
	[tilespmem:$0x15C00] =	vst v63  }
0x30: {  	s9 =	rddreg [dreg:$0x9]  }
0x31: {  	[tilespmem:s14], [sflag:$0x2] =	stream.indirect.gather [hbm4b:s2+s12], $0x80, s12, s12, $0xb8;
	[tilespmem:$0x15C00] =	vst v63  }
0x32: {  	s15 =	simm.s32 $0x100;
	s8 =	rddreg [dreg:$0x8]  }
0x33: {  	[tilespmem:s16], [sflag:$0x3] =	stream.indirect.gather [hbm4b:s2+s12], $0x80, s15, s12, $0xb8;
	[tilespmem:$0x15C00] =	vst v63  }
0x34: {  	s17 =	simm.s32 $0x180;
	s19 =	simm.s32 $0x200;
	s7 =	rddreg [dreg:$0x7]  }
0x35: {  	[tilespmem:s18], [sflag:$0x4] =	stream.indirect.gather [hbm4b:s2+s12], $0x80, s17, s12, $0xb8;
	[tilespmem:$0x15C00] =	vst v63  }
0x36: {  	s10 =	smov.u32 s0;
	s5 =	simm.s32 $0x0;
	s6 =	rddreg [dreg:$0x6]  }
0x37: {  	[tilespmem:s20], [sflag:$0x5] =	stream.indirect.gather [hbm4b:s2+s12], $0x80, s19, s12, $0xb8;
	[tilespmem:$0x15C00] =	vst v63  }
.LBB2_2:
0x38: {  	_ =	swait.ge [sflag:s21], $0x4000  }
0x39: {  	p0 =	seq.s32 s5, $0x0;
	[sflag:s21] =	ssyncset.done $0x0  }
0x3a: {  	s4 =	simm.s32 @!p0 $0x8;
	[sflag:s21] =	ssyncadd.s32 $0xFFFFC000  }
0x3b: {  	[hbm4b:s6+s3] =	stream.linear.scatter [tilespmem:s13], [sflag:$0x6], $0x4000, $0x38;
	[tilespmem:$0x15C00] =	vst v63  }
0x3c: {  	_ =	swait.ge @!p0 [sflag:s4], $0x4000  }
0x3d: {  	[sflag:s4] =	ssyncset.done @!p0 $0x0  }
0x3e: {  	[sflag:s4] =	ssyncadd.s32 @!p0 $0xFFFFC000;
	s4 =	sshra.s32 @!p0 s5, $0x2  }
0x3f: {  	s17 =	simm.s32 @!p0 $0x80;
	s15 =	simm.s32 @!p0 $0x9C00;
	s19 =	sadd.s32 @!p0 $0x100, s4  }
0x40: {  	[tilespmem:s15], [sflag:$0x3] =	stream.indirect.gather @!p0 [hbm4b:s2+s17], $0x80, s19, s17, $0xb8;
	[tilespmem:$0x15C00] =	vst v63  }
0x41: {  	_ =	swait.ge [sflag:s22], $0x4000  }
0x42: {  	[sflag:s22] =	ssyncset.done $0x0  }
0x43: {  	s15 =	simm.s32 @!p0 $0x9;
	[sflag:s22] =	ssyncadd.s32 $0xFFFFC000  }
0x44: {  	[hbm4b:s10+s3] =	stream.linear.scatter [tilespmem:s14], [sflag:$0x7], $0x4000, $0x38;
	[tilespmem:$0x15C00] =	vst v63  }
0x45: {  	_ =	swait.ge @!p0 [sflag:s15], $0x4000  }
0x46: {  	[sflag:s15] =	ssyncset.done @!p0 $0x0  }
0x47: {  	s19 =	simm.s32 @!p0 $0xDC00;
	[sflag:s15] =	ssyncadd.s32 @!p0 $0xFFFFC000;
	s15 =	sadd.s32 @!p0 $0x180, s4  }
0x48: {  	[tilespmem:s19], [sflag:$0x4] =	stream.indirect.gather @!p0 [hbm4b:s2+s17], $0x80, s15, s17, $0xb8;
	[tilespmem:$0x15C00] =	vst v63  }
0x49: {  	_ =	swait.ge [sflag:s23], $0x4000  }
0x4a: {  	[sflag:s23] =	ssyncset.done $0x0  }
0x4b: {  	s15 =	simm.s32 @!p0 $0xA;
	[sflag:s23] =	ssyncadd.s32 $0xFFFFC000  }
0x4c: {  	[hbm4b:s9+s3] =	stream.linear.scatter [tilespmem:s16], [sflag:$0x8], $0x4000, $0x38;
	[tilespmem:$0x15C00] =	vst v63  }
0x4d: {  	_ =	swait.ge @!p0 [sflag:s15], $0x4000  }
0x4e: {  	[sflag:s15] =	ssyncset.done @!p0 $0x0  }
0x4f: {  	s4 =	sadd.s32 @!p0 $0x200, s4;
	[sflag:s15] =	ssyncadd.s32 @!p0 $0xFFFFC000;
	s15 =	simm.s32 @!p0 $0x11C00  }
0x50: {  	[tilespmem:s15], [sflag:$0x5] =	stream.indirect.gather @!p0 [hbm4b:s2+s17], $0x80, s4, s17, $0xb8;
	[tilespmem:$0x15C00] =	vst v63  }
0x51: {  	_ =	swait.ge [sflag:s24], $0x4000  }
0x52: {  	p0 =	seq.s32 s5, $0x5A00;
	[sflag:s24] =	ssyncset.done $0x0  }
0x53: {  	s4 =	simm.s32 @!p0 $0x6;
	[sflag:s24] =	ssyncadd.s32 $0xFFFFC000  }
0x54: {  	[hbm4b:s8+s3] =	stream.linear.scatter [tilespmem:s18], [sflag:$0x9], $0x4000, $0x38;
	[tilespmem:$0x15C00] =	vst v63  }
0x55: {  	_ =	swait.ge @!p0 [sflag:s4], $0x4000  }
0x56: {  	[sflag:s4] =	ssyncset.done @!p0 $0x0  }
0x57: {  	[sflag:s4] =	ssyncadd.s32 @!p0 $0xFFFFC000;
	s4 =	sshra.s32 @!p0 s5, $0x2  }
0x58: {  	s15 =	simm.s32 @!p0 $0x80;
	s17 =	simm.s32 @!p0 $0x1C00;
	s4 =	sadd.s32 @!p0 $0x280, s4  }
0x59: {  	[tilespmem:s17], [sflag:$0x1] =	stream.indirect.gather @!p0 [hbm4b:s2+s15], $0x80, s4, s15, $0xb8;
	[tilespmem:$0x15C00] =	vst v63  }
.Ltmp2:
0x5a: {  	_ = 	snop;
	(pc) =	sbr.rel @p0 .LBB2_4-.Ltmp2, $4  }
0x5b: {  	_ =	swait.ge [sflag:s25], $0x4000  }
0x5c: {  	[sflag:s25] =	ssyncset.done $0x0  }
0x5d: {  	[sflag:s25] =	ssyncadd.s32 $0xFFFFC000  }
0x5e: {  	[hbm4b:s7+s3] =	stream.linear.scatter [tilespmem:s20], [sflag:$0xA], $0x4000, $0x38;
	[tilespmem:$0x15C00] =	vst v63  }
.Ltmp3:
0x5f: {  	_ =	swait.ge [sflag:s28], $0x4000;
	s4 =	sshra.s32 s5, $0x2;
	(pc) =	sbr.rel .LBB2_2-.Ltmp3, $4  }
0x60: {  	s5 =	sadd.s32 $0xA00, s5;
	s6 =	sadd.s32 $0x2800, s6;
	s7 =	sadd.s32 $0x2800, s7  }
0x61: {  	s8 =	sadd.s32 $0x2800, s8;
	s9 =	sadd.s32 $0x2800, s9;
	[sflag:s28] =	ssyncset.done $0x0  }
0x62: {  	s10 =	sadd.s32 $0x2800, s10;
	s4 =	sadd.s32 $0x300, s4;
	[sflag:s28] =	ssyncadd.s32 $0xFFFFC000  }
0x63: {  	[tilespmem:s14], [sflag:$0x2] =	stream.indirect.gather [hbm4b:s2+s12], $0x80, s4, s12, $0xb8;
	[tilespmem:$0x15C00] =	vst v63  }
.LBB2_5:
0x64: {  	_ =	sfence.sel $0x180000  }
0x65: {  	[bflag:$0x0] =	sbarrier.arrive $0xFFFF  }
0x66: {  	_ =	strace $0x90000047  }
0x67: {  	s0 =	stileid.u32;
	[bflag:$0x2] =	sbarrier.arrive $0xFFFF  }
0x68: {  	p0 =	sne.s32 s0, $0x0;
	s0 =	rddreg [dreg:$0x3]  }
0x69: {  	s0 =	sadd.s32 @!p0 $0x100000, s0  }
0x6a: {  	[sflag:s0] =	ssyncadd.tile.s32 @!p0 $0x1;
	_ =	shalt  }
.Lfunc_end2:
_tile_overlayer_lowered:
.L_overlay_start_2:
0x6b: {  	(tag) =	ssettag $0x2  }
0x6c: {  	s0 =	rddreg [dreg:$0x0];
	s2 =	stileid.u32  }
0x6d: {  	s1 =	rddreg [dreg:$0x1];
	p0 =	sne.s32 s2, $0x0  }
0x6e: {  	s3 =	rddreg [dreg:$0x2];
	[bflag:$0x3] =	sbarrier.arrive $0xFFFF;
	s2 =	simm.s32 @!p0 $0x1C0B  }
0x6f: {  	[timem:s3], [sflag:s2] =	dma.local @!p0 [hbm:s0], s1  }
0x70: {  	s0 =	simm.s32 @!p0 $0xB  }
0x71: {  	_ =	swait.ge @!p0 [sflag:s0], s1  }
0x72: {  	s1 =	ssub.s32 @!p0 $0x0, s1;
	[sflag:s0] =	ssyncset.done @!p0 $0x0  }
0x73: {  	[sflag:s0] =	ssyncadd.s32 @!p0 s1  }
0x74: {  	[bflag:$0x3] =	sbarrier.arrive $0xFFFF  }
0x75: {  	_ =	shalt  }

</sc_bundles>
